<compile_context>
chip_gen: v7x
topology: tpu7x:2x2x1
jax: 0.10.2.dev20260603
libtpu: 0.0.44.dev20260713+nightly
codegen_flags: <defaults>
</compile_context>

<pallas_src>
import jax
import jax.numpy as jnp
from jax import lax
from jax.experimental import pallas as pl
from jax.experimental.pallas import tpu as pltpu
from jax.experimental.pallas import tpu_sc as plsc

_NUM_GRAPHS = 16
_TOTAL_NODES = 32768
_HIDDEN = 64
_LANES = 16
_NSUB = 16
_CHUNK = _TOTAL_NODES // _NSUB


def _body(nodes_hbm, att_hbm, batch_hbm, out_hbm,
          chunk_v, cnt_v, att_v, mat_v, row_v, shared_v, sem, att_sem):
    s = lax.axis_index("s")

    att_copy = pltpu.async_copy(att_hbm, att_v, att_sem)

    pltpu.sync_copy(batch_hbm.at[pl.ds(s * _CHUNK, _CHUNK)], chunk_v)

    g = lax.iota(jnp.int32, _LANES)
    lo = jnp.zeros((_LANES,), jnp.int32)
    step = _CHUNK // 2
    while step >= 1:
        t = lo + step
        val = plsc.load_gather(chunk_v, [t - 1])
        lo = jnp.where(val < g, t, lo)
        step //= 2
    val = plsc.load_gather(chunk_v, [lo])
    lo = lo + (val < g).astype(jnp.int32)
    cnt_v[...] = lo

    pltpu.sync_copy(cnt_v, shared_v.at[pl.ds(s * _LANES, _LANES)])
    plsc.subcore_barrier()

    pltpu.sync_copy(shared_v, mat_v)
    offsets = mat_v[pl.ds(0, _LANES)]
    for i in range(1, _NSUB):
        offsets = offsets + mat_v[pl.ds(i * _LANES, _LANES)]
    att_copy.wait()
    gidx = jnp.minimum(offsets + att_v[...], _TOTAL_NODES - 1)

    r = jnp.sum(jnp.where(g == s, gidx, 0))
    pltpu.async_copy(nodes_hbm.at[pl.ds(r, 1)], row_v, sem).wait()
    pltpu.sync_copy(row_v, out_hbm.at[pl.ds(s, 1)])


@jax.jit
def kernel(node_representations, attachment_indices, batch_indices):
    f = pl.kernel(
        _body,
        out_type=jax.ShapeDtypeStruct((_NUM_GRAPHS, _HIDDEN), jnp.float32),
        mesh=plsc.VectorSubcoreMesh(
            core_axis_name="c", subcore_axis_name="s", num_cores=1),
        compiler_params=pltpu.CompilerParams(
            needs_layout_passes=False,
            disable_bounds_checks=True,
            disable_semaphore_checks=True,
            skip_device_barrier=True,
        ),
        scratch_types=[
            pltpu.VMEM((_CHUNK,), jnp.int32),
            pltpu.VMEM((_LANES,), jnp.int32),
            pltpu.VMEM((_LANES,), jnp.int32),
            pltpu.VMEM((_NSUB * _LANES,), jnp.int32),
            pltpu.VMEM((1, _HIDDEN), jnp.float32),
            pltpu.VMEM_SHARED((_NSUB * _LANES,), jnp.int32),
            pltpu.SemaphoreType.DMA,
            pltpu.SemaphoreType.DMA,
        ],
    )
    return f(node_representations, attachment_indices, batch_indices)

# --- scband reference (transcript-rebuilt; emitter-appended) ---
"""Pipeline reference for scband-block-angle-model-44186623541404 (READ-ONLY COPY).

The authoritative reference and input builder live on the scoring server;
editing this copy changes nothing except your own understanding.
"""

import jax, jax.numpy as jnp
import numpy as np

NUM_GRAPHS = 16
TOTAL_NODES = 32768
HIDDEN = 64

def setup_inputs(seed: int = 0) -> dict:
    key = jax.random.key(seed)
    k1, k2, k3 = jax.random.split(key, 3)
    node_representations = jax.random.normal(k1, (TOTAL_NODES, HIDDEN), dtype=jnp.float32)
    attachment_indices = jax.random.randint(k2, (NUM_GRAPHS,), 0, 1024, dtype=jnp.int32)
    batch_indices = jnp.sort(jax.random.randint(k3, (TOTAL_NODES,), 0, NUM_GRAPHS, dtype=jnp.int32))
    return {"node_representations": node_representations, "attachment_indices": attachment_indices, "batch_indices": batch_indices}

def reference(node_representations, attachment_indices, batch_indices):
    # torch.unique(sorted=True, return_counts=True) over contiguous sorted batch ids
    # == bincount with known number of graphs (all graphs present).
    counts = jnp.bincount(batch_indices, length=NUM_GRAPHS)
    cumulative_counts = jnp.cumsum(counts)
    zero = jnp.zeros((1,), dtype=cumulative_counts.dtype)
    sum_of_all_nodes_up_to_graph_nm1 = jnp.concatenate([zero, cumulative_counts[:-1]])
    global_indices = sum_of_all_nodes_up_to_graph_nm1 + attachment_indices
    attachment_node_representation = jnp.take(node_representations, global_indices, axis=0)
    return attachment_node_representation

if __name__ == "__main__":
    import jax
    _d = setup_inputs()
    print(jax.jit(kernel)(*tuple(_d.values())))

</pallas_src>

<mosaic_0001>
#map = affine_map<(d0, d1) -> (0, 0)>
#map1 = affine_map<(d0, d1) -> (0)>
module attributes {stable_mosaic.version = 14 : i64} {
  func.func @_body(%arg0: i32, %arg1: i32, %arg2: memref<32768x64xf32, #tpu.memory_space<hbm>>, %arg3: memref<16xi32, #tpu.memory_space<hbm>>, %arg4: memref<32768xi32, #tpu.memory_space<hbm>>, %arg5: memref<16x64xf32, #tpu.memory_space<hbm>>, %arg6: memref<2048xi32, #tpu.memory_space<vmem>>, %arg7: memref<16xi32, #tpu.memory_space<vmem>>, %arg8: memref<16xi32, #tpu.memory_space<vmem>>, %arg9: memref<256xi32, #tpu.memory_space<vmem>>, %arg10: memref<1x64xf32, #tpu.memory_space<vmem>>, %arg11: memref<256xi32, #tpu.memory_space<vmem_shared>>, %arg12: memref<!tpu.dma_semaphore, #tpu.memory_space<semaphore_mem>>, %arg13: memref<!tpu.dma_semaphore, #tpu.memory_space<semaphore_mem>>) attributes {dimension_semantics = [#tpu.dimension_semantics<core_parallel>, #tpu.dimension_semantics<subcore_parallel>], iteration_bounds = array<i64: 1, 16>, scalar_prefetch = 0 : i64, scratch_operands = 8 : i64, tpu.core_type = #tpu.core_type<sc_vector_subcore>, window_params = [{transform_indices = #map}, {transform_indices = #map1}, {transform_indices = #map1}, {transform_indices = #map}]} {
    tpu.enqueue_dma source(%arg3 : memref<16xi32, #tpu.memory_space<hbm>>) target(%arg8 : memref<16xi32, #tpu.memory_space<vmem>>) target_semaphore(%arg13 : memref<!tpu.dma_semaphore, #tpu.memory_space<semaphore_mem>>)
    %mul3A = arith.constant 2048 : i32
    %mul3A_0 = arith.muli %arg1, %mul3A : i32
    "tpu.region"() ({
      %run_scoped3A = tpu.sem_alloc : memref<!tpu.dma_semaphore, #tpu.memory_space<semaphore_mem>>
      %dma_start3A_165 = tpu.memref_slice %arg4[%mul3A_0] : memref<32768xi32, #tpu.memory_space<hbm>> -> memref<2048xi32, #tpu.memory_space<hbm>>
      %dma_start3A_166 = tpu.memref_slice %arg4[%mul3A_0] : memref<32768xi32, #tpu.memory_space<hbm>> -> memref<2048xi32, #tpu.memory_space<hbm>>
      tpu.enqueue_dma source(%dma_start3A_166 : memref<2048xi32, #tpu.memory_space<hbm>>) target(%arg6 : memref<2048xi32, #tpu.memory_space<vmem>>) target_semaphore(%run_scoped3A : memref<!tpu.dma_semaphore, #tpu.memory_space<semaphore_mem>>)
      %dma_wait3A_167 = tpu.memref_slice %arg4[%mul3A_0] : memref<32768xi32, #tpu.memory_space<hbm>> -> memref<2048xi32, #tpu.memory_space<hbm>>
      %dma_wait3A_168 = tpu.memref_slice %arg4[%mul3A_0] : memref<32768xi32, #tpu.memory_space<hbm>> -> memref<2048xi32, #tpu.memory_space<hbm>>
      tpu.wait_dma2 semaphore(%run_scoped3A : memref<!tpu.dma_semaphore, #tpu.memory_space<semaphore_mem>>) src(%dma_wait3A_168 : memref<2048xi32, #tpu.memory_space<hbm>>) dst(%arg6 : memref<2048xi32, #tpu.memory_space<vmem>>)
      tpu.yield
    }) : () -> ()
    %iota3A = tpu.iota {dimensions = array<i32: 0>} : vector<16xi32>
    %broadcast_in_dim3A = arith.constant 0 : i32
    %broadcast_in_dim3A_1 = vector.broadcast %broadcast_in_dim3A : i32 to vector<16xi32>
    %add3A = arith.constant 1024 : i32
    %add3A_2 = vector.broadcast %add3A : i32 to vector<16xi32>
    %add3A_3 = arith.addi %broadcast_in_dim3A_1, %add3A_2 : vector<16xi32>
    %sub3A = arith.constant 1 : i32
    %sub3A_4 = vector.broadcast %sub3A : i32 to vector<16xi32>
    %sub3A_5 = arith.subi %add3A_3, %sub3A_4 : vector<16xi32>
    %gather3A = tpu.vector_load_idx %arg6[%sub3A_5] : memref<2048xi32, #tpu.memory_space<vmem>>[vector<16xi32>], vector<16xi32>,
    %lt3A = arith.cmpi slt, %gather3A, %iota3A : vector<16xi32>
    %select_n3A = arith.select %lt3A, %add3A_3, %broadcast_in_dim3A_1 : vector<16xi1>, vector<16xi32>
    %add3A_6 = arith.constant 512 : i32
    %add3A_7 = vector.broadcast %add3A_6 : i32 to vector<16xi32>
    %add3A_8 = arith.addi %select_n3A, %add3A_7 : vector<16xi32>
    %sub3A_9 = arith.constant 1 : i32
    %sub3A_10 = vector.broadcast %sub3A_9 : i32 to vector<16xi32>
    %sub3A_11 = arith.subi %add3A_8, %sub3A_10 : vector<16xi32>
    %gather3A_12 = tpu.vector_load_idx %arg6[%sub3A_11] : memref<2048xi32, #tpu.memory_space<vmem>>[vector<16xi32>], vector<16xi32>,
    %lt3A_13 = arith.cmpi slt, %gather3A_12, %iota3A : vector<16xi32>
    %select_n3A_14 = arith.select %lt3A_13, %add3A_8, %select_n3A : vector<16xi1>, vector<16xi32>
    %add3A_15 = arith.constant 256 : i32
    %add3A_16 = vector.broadcast %add3A_15 : i32 to vector<16xi32>
    %add3A_17 = arith.addi %select_n3A_14, %add3A_16 : vector<16xi32>
    %sub3A_18 = arith.constant 1 : i32
    %sub3A_19 = vector.broadcast %sub3A_18 : i32 to vector<16xi32>
    %sub3A_20 = arith.subi %add3A_17, %sub3A_19 : vector<16xi32>
    %gather3A_21 = tpu.vector_load_idx %arg6[%sub3A_20] : memref<2048xi32, #tpu.memory_space<vmem>>[vector<16xi32>], vector<16xi32>,
    %lt3A_22 = arith.cmpi slt, %gather3A_21, %iota3A : vector<16xi32>
    %select_n3A_23 = arith.select %lt3A_22, %add3A_17, %select_n3A_14 : vector<16xi1>, vector<16xi32>
    %add3A_24 = arith.constant 128 : i32
    %add3A_25 = vector.broadcast %add3A_24 : i32 to vector<16xi32>
    %add3A_26 = arith.addi %select_n3A_23, %add3A_25 : vector<16xi32>
    %sub3A_27 = arith.constant 1 : i32
    %sub3A_28 = vector.broadcast %sub3A_27 : i32 to vector<16xi32>
    %sub3A_29 = arith.subi %add3A_26, %sub3A_28 : vector<16xi32>
    %gather3A_30 = tpu.vector_load_idx %arg6[%sub3A_29] : memref<2048xi32, #tpu.memory_space<vmem>>[vector<16xi32>], vector<16xi32>,
    %lt3A_31 = arith.cmpi slt, %gather3A_30, %iota3A : vector<16xi32>
    %select_n3A_32 = arith.select %lt3A_31, %add3A_26, %select_n3A_23 : vector<16xi1>, vector<16xi32>
    %add3A_33 = arith.constant 64 : i32
    %add3A_34 = vector.broadcast %add3A_33 : i32 to vector<16xi32>
    %add3A_35 = arith.addi %select_n3A_32, %add3A_34 : vector<16xi32>
    %sub3A_36 = arith.constant 1 : i32
    %sub3A_37 = vector.broadcast %sub3A_36 : i32 to vector<16xi32>
    %sub3A_38 = arith.subi %add3A_35, %sub3A_37 : vector<16xi32>
    %gather3A_39 = tpu.vector_load_idx %arg6[%sub3A_38] : memref<2048xi32, #tpu.memory_space<vmem>>[vector<16xi32>], vector<16xi32>,
    %lt3A_40 = arith.cmpi slt, %gather3A_39, %iota3A : vector<16xi32>
    %select_n3A_41 = arith.select %lt3A_40, %add3A_35, %select_n3A_32 : vector<16xi1>, vector<16xi32>
    %add3A_42 = arith.constant 32 : i32
    %add3A_43 = vector.broadcast %add3A_42 : i32 to vector<16xi32>
    %add3A_44 = arith.addi %select_n3A_41, %add3A_43 : vector<16xi32>
    %sub3A_45 = arith.constant 1 : i32
    %sub3A_46 = vector.broadcast %sub3A_45 : i32 to vector<16xi32>
    %sub3A_47 = arith.subi %add3A_44, %sub3A_46 : vector<16xi32>
    %gather3A_48 = tpu.vector_load_idx %arg6[%sub3A_47] : memref<2048xi32, #tpu.memory_space<vmem>>[vector<16xi32>], vector<16xi32>,
    %lt3A_49 = arith.cmpi slt, %gather3A_48, %iota3A : vector<16xi32>
    %select_n3A_50 = arith.select %lt3A_49, %add3A_44, %select_n3A_41 : vector<16xi1>, vector<16xi32>
    %add3A_51 = arith.constant 16 : i32
    %add3A_52 = vector.broadcast %add3A_51 : i32 to vector<16xi32>
    %add3A_53 = arith.addi %select_n3A_50, %add3A_52 : vector<16xi32>
    %sub3A_54 = arith.constant 1 : i32
    %sub3A_55 = vector.broadcast %sub3A_54 : i32 to vector<16xi32>
    %sub3A_56 = arith.subi %add3A_53, %sub3A_55 : vector<16xi32>
    %gather3A_57 = tpu.vector_load_idx %arg6[%sub3A_56] : memref<2048xi32, #tpu.memory_space<vmem>>[vector<16xi32>], vector<16xi32>,
    %lt3A_58 = arith.cmpi slt, %gather3A_57, %iota3A : vector<16xi32>
    %select_n3A_59 = arith.select %lt3A_58, %add3A_53, %select_n3A_50 : vector<16xi1>, vector<16xi32>
    %add3A_60 = arith.constant 8 : i32
    %add3A_61 = vector.broadcast %add3A_60 : i32 to vector<16xi32>
    %add3A_62 = arith.addi %select_n3A_59, %add3A_61 : vector<16xi32>
    %sub3A_63 = arith.constant 1 : i32
    %sub3A_64 = vector.broadcast %sub3A_63 : i32 to vector<16xi32>
    %sub3A_65 = arith.subi %add3A_62, %sub3A_64 : vector<16xi32>
    %gather3A_66 = tpu.vector_load_idx %arg6[%sub3A_65] : memref<2048xi32, #tpu.memory_space<vmem>>[vector<16xi32>], vector<16xi32>,
    %lt3A_67 = arith.cmpi slt, %gather3A_66, %iota3A : vector<16xi32>
    %select_n3A_68 = arith.select %lt3A_67, %add3A_62, %select_n3A_59 : vector<16xi1>, vector<16xi32>
    %add3A_69 = arith.constant 4 : i32
    %add3A_70 = vector.broadcast %add3A_69 : i32 to vector<16xi32>
    %add3A_71 = arith.addi %select_n3A_68, %add3A_70 : vector<16xi32>
    %sub3A_72 = arith.constant 1 : i32
    %sub3A_73 = vector.broadcast %sub3A_72 : i32 to vector<16xi32>
    %sub3A_74 = arith.subi %add3A_71, %sub3A_73 : vector<16xi32>
    %gather3A_75 = tpu.vector_load_idx %arg6[%sub3A_74] : memref<2048xi32, #tpu.memory_space<vmem>>[vector<16xi32>], vector<16xi32>,
    %lt3A_76 = arith.cmpi slt, %gather3A_75, %iota3A : vector<16xi32>
    %select_n3A_77 = arith.select %lt3A_76, %add3A_71, %select_n3A_68 : vector<16xi1>, vector<16xi32>
    %add3A_78 = arith.constant 2 : i32
    %add3A_79 = vector.broadcast %add3A_78 : i32 to vector<16xi32>
    %add3A_80 = arith.addi %select_n3A_77, %add3A_79 : vector<16xi32>
    %sub3A_81 = arith.constant 1 : i32
    %sub3A_82 = vector.broadcast %sub3A_81 : i32 to vector<16xi32>
    %sub3A_83 = arith.subi %add3A_80, %sub3A_82 : vector<16xi32>
    %gather3A_84 = tpu.vector_load_idx %arg6[%sub3A_83] : memref<2048xi32, #tpu.memory_space<vmem>>[vector<16xi32>], vector<16xi32>,
    %lt3A_85 = arith.cmpi slt, %gather3A_84, %iota3A : vector<16xi32>
    %select_n3A_86 = arith.select %lt3A_85, %add3A_80, %select_n3A_77 : vector<16xi1>, vector<16xi32>
    %add3A_87 = arith.constant 1 : i32
    %add3A_88 = vector.broadcast %add3A_87 : i32 to vector<16xi32>
    %add3A_89 = arith.addi %select_n3A_86, %add3A_88 : vector<16xi32>
    %sub3A_90 = arith.constant 1 : i32
    %sub3A_91 = vector.broadcast %sub3A_90 : i32 to vector<16xi32>
    %sub3A_92 = arith.subi %add3A_89, %sub3A_91 : vector<16xi32>
    %gather3A_93 = tpu.vector_load_idx %arg6[%sub3A_92] : memref<2048xi32, #tpu.memory_space<vmem>>[vector<16xi32>], vector<16xi32>,
    %lt3A_94 = arith.cmpi slt, %gather3A_93, %iota3A : vector<16xi32>
    %select_n3A_95 = arith.select %lt3A_94, %add3A_89, %select_n3A_86 : vector<16xi1>, vector<16xi32>
    %gather3A_96 = tpu.vector_load_idx %arg6[%select_n3A_95] : memref<2048xi32, #tpu.memory_space<vmem>>[vector<16xi32>], vector<16xi32>,
    %lt3A_97 = arith.cmpi slt, %gather3A_96, %iota3A : vector<16xi32>
    %convert_element_type3A = arith.extui %lt3A_97 : vector<16xi1> to vector<16xi32>
    %add3A_98 = arith.addi %select_n3A_95, %convert_element_type3A : vector<16xi32>
    %swap3A = arith.constant 0 : index
    %swap3A_99 = tpu.vector_load %arg7[%swap3A] {strides = array<i32>} : memref<16xi32, #tpu.memory_space<vmem>>, vector<16xi32>,
    tpu.vector_store %arg7[%swap3A], %add3A_98 {strides = array<i32>} : memref<16xi32, #tpu.memory_space<vmem>>, vector<16xi32>,
    %mul3A_100 = arith.constant 16 : i32
    %mul3A_101 = arith.muli %arg1, %mul3A_100 : i32
    "tpu.region"() ({
      %run_scoped3A = tpu.sem_alloc : memref<!tpu.dma_semaphore, #tpu.memory_space<semaphore_mem>>
      %dma_start3A_165 = tpu.memref_slice %arg11[%mul3A_101] : memref<256xi32, #tpu.memory_space<vmem_shared>> -> memref<16xi32, #tpu.memory_space<vmem_shared>>
      %dma_start3A_166 = tpu.memref_slice %arg11[%mul3A_101] : memref<256xi32, #tpu.memory_space<vmem_shared>> -> memref<16xi32, #tpu.memory_space<vmem_shared>>
      tpu.enqueue_dma source(%arg7 : memref<16xi32, #tpu.memory_space<vmem>>) target(%dma_start3A_166 : memref<16xi32, #tpu.memory_space<vmem_shared>>) target_semaphore(%run_scoped3A : memref<!tpu.dma_semaphore, #tpu.memory_space<semaphore_mem>>)
      %dma_wait3A_167 = tpu.memref_slice %arg11[%mul3A_101] : memref<256xi32, #tpu.memory_space<vmem_shared>> -> memref<16xi32, #tpu.memory_space<vmem_shared>>
      %dma_wait3A_168 = tpu.memref_slice %arg11[%mul3A_101] : memref<256xi32, #tpu.memory_space<vmem_shared>> -> memref<16xi32, #tpu.memory_space<vmem_shared>>
      tpu.wait_dma2 semaphore(%run_scoped3A : memref<!tpu.dma_semaphore, #tpu.memory_space<semaphore_mem>>) src(%arg7 : memref<16xi32, #tpu.memory_space<vmem>>) dst(%dma_wait3A_168 : memref<16xi32, #tpu.memory_space<vmem_shared>>)
      tpu.yield
    }) : () -> ()
    %barrier3A = arith.constant 0 : index
    tpu.barrier barrier_id(%barrier3A)
    "tpu.region"() ({
      %run_scoped3A = tpu.sem_alloc : memref<!tpu.dma_semaphore, #tpu.memory_space<semaphore_mem>>
      tpu.enqueue_dma source(%arg11 : memref<256xi32, #tpu.memory_space<vmem_shared>>) target(%arg9 : memref<256xi32, #tpu.memory_space<vmem>>) target_semaphore(%run_scoped3A : memref<!tpu.dma_semaphore, #tpu.memory_space<semaphore_mem>>)
      tpu.wait_dma2 semaphore(%run_scoped3A : memref<!tpu.dma_semaphore, #tpu.memory_space<semaphore_mem>>) src(%arg11 : memref<256xi32, #tpu.memory_space<vmem_shared>>) dst(%arg9 : memref<256xi32, #tpu.memory_space<vmem>>)
      tpu.yield
    }) : () -> ()
    %get3A = arith.constant 0 : index
    %get3A_102 = tpu.vector_load %arg9[%get3A] {strides = array<i32>} : memref<256xi32, #tpu.memory_space<vmem>>, vector<16xi32>,
    %get3A_103 = arith.constant 16 : index
    %get3A_104 = tpu.vector_load %arg9[%get3A_103] {strides = array<i32>} : memref<256xi32, #tpu.memory_space<vmem>>, vector<16xi32>,
    %add3A_105 = arith.addi %get3A_102, %get3A_104 : vector<16xi32>
    %get3A_106 = arith.constant 32 : index
    %get3A_107 = tpu.vector_load %arg9[%get3A_106] {strides = array<i32>} : memref<256xi32, #tpu.memory_space<vmem>>, vector<16xi32>,
    %add3A_108 = arith.addi %add3A_105, %get3A_107 : vector<16xi32>
    %get3A_109 = arith.constant 48 : index
    %get3A_110 = tpu.vector_load %arg9[%get3A_109] {strides = array<i32>} : memref<256xi32, #tpu.memory_space<vmem>>, vector<16xi32>,
    %add3A_111 = arith.addi %add3A_108, %get3A_110 : vector<16xi32>
    %get3A_112 = arith.constant 64 : index
    %get3A_113 = tpu.vector_load %arg9[%get3A_112] {strides = array<i32>} : memref<256xi32, #tpu.memory_space<vmem>>, vector<16xi32>,
    %add3A_114 = arith.addi %add3A_111, %get3A_113 : vector<16xi32>
    %get3A_115 = arith.constant 80 : index
    %get3A_116 = tpu.vector_load %arg9[%get3A_115] {strides = array<i32>} : memref<256xi32, #tpu.memory_space<vmem>>, vector<16xi32>,
    %add3A_117 = arith.addi %add3A_114, %get3A_116 : vector<16xi32>
    %get3A_118 = arith.constant 96 : index
    %get3A_119 = tpu.vector_load %arg9[%get3A_118] {strides = array<i32>} : memref<256xi32, #tpu.memory_space<vmem>>, vector<16xi32>,
    %add3A_120 = arith.addi %add3A_117, %get3A_119 : vector<16xi32>
    %get3A_121 = arith.constant 112 : index
    %get3A_122 = tpu.vector_load %arg9[%get3A_121] {strides = array<i32>} : memref<256xi32, #tpu.memory_space<vmem>>, vector<16xi32>,
    %add3A_123 = arith.addi %add3A_120, %get3A_122 : vector<16xi32>
    %get3A_124 = arith.constant 128 : index
    %get3A_125 = tpu.vector_load %arg9[%get3A_124] {strides = array<i32>} : memref<256xi32, #tpu.memory_space<vmem>>, vector<16xi32>,
    %add3A_126 = arith.addi %add3A_123, %get3A_125 : vector<16xi32>
    %get3A_127 = arith.constant 144 : index
    %get3A_128 = tpu.vector_load %arg9[%get3A_127] {strides = array<i32>} : memref<256xi32, #tpu.memory_space<vmem>>, vector<16xi32>,
    %add3A_129 = arith.addi %add3A_126, %get3A_128 : vector<16xi32>
    %get3A_130 = arith.constant 160 : index
    %get3A_131 = tpu.vector_load %arg9[%get3A_130] {strides = array<i32>} : memref<256xi32, #tpu.memory_space<vmem>>, vector<16xi32>,
    %add3A_132 = arith.addi %add3A_129, %get3A_131 : vector<16xi32>
    %get3A_133 = arith.constant 176 : index
    %get3A_134 = tpu.vector_load %arg9[%get3A_133] {strides = array<i32>} : memref<256xi32, #tpu.memory_space<vmem>>, vector<16xi32>,
    %add3A_135 = arith.addi %add3A_132, %get3A_134 : vector<16xi32>
    %get3A_136 = arith.constant 192 : index
    %get3A_137 = tpu.vector_load %arg9[%get3A_136] {strides = array<i32>} : memref<256xi32, #tpu.memory_space<vmem>>, vector<16xi32>,
    %add3A_138 = arith.addi %add3A_135, %get3A_137 : vector<16xi32>
    %get3A_139 = arith.constant 208 : index
    %get3A_140 = tpu.vector_load %arg9[%get3A_139] {strides = array<i32>} : memref<256xi32, #tpu.memory_space<vmem>>, vector<16xi32>,
    %add3A_141 = arith.addi %add3A_138, %get3A_140 : vector<16xi32>
    %get3A_142 = arith.constant 224 : index
    %get3A_143 = tpu.vector_load %arg9[%get3A_142] {strides = array<i32>} : memref<256xi32, #tpu.memory_space<vmem>>, vector<16xi32>,
    %add3A_144 = arith.addi %add3A_141, %get3A_143 : vector<16xi32>
    %get3A_145 = arith.constant 240 : index
    %get3A_146 = tpu.vector_load %arg9[%get3A_145] {strides = array<i32>} : memref<256xi32, #tpu.memory_space<vmem>>, vector<16xi32>,
    %add3A_147 = arith.addi %add3A_144, %get3A_146 : vector<16xi32>
    tpu.wait_dma2 semaphore(%arg13 : memref<!tpu.dma_semaphore, #tpu.memory_space<semaphore_mem>>) src(%arg3 : memref<16xi32, #tpu.memory_space<hbm>>) dst(%arg8 : memref<16xi32, #tpu.memory_space<vmem>>)
    %get3A_148 = arith.constant 0 : index
    %get3A_149 = tpu.vector_load %arg8[%get3A_148] {strides = array<i32>} : memref<16xi32, #tpu.memory_space<vmem>>, vector<16xi32>,
    %add3A_150 = arith.addi %add3A_147, %get3A_149 : vector<16xi32>
    %min3A = arith.constant 32767 : i32
    %min3A_151 = vector.broadcast %min3A : i32 to vector<16xi32>
    %min3A_152 = arith.minsi %add3A_150, %min3A_151 : vector<16xi32>
    %eq3A = vector.broadcast %arg1 : i32 to vector<16xi32>
    %eq3A_153 = arith.cmpi eq, %iota3A, %eq3A : vector<16xi32>
    %jit3A = arith.constant 0 : i32
    %broadcast_in_dim3A_154 = vector.broadcast %jit3A : i32 to vector<16xi32>
    %select_n3A_155 = arith.select %eq3A_153, %min3A_152, %broadcast_in_dim3A_154 : vector<16xi1>, vector<16xi32>
    %reduce_sum3A = arith.constant true
    %reduce_sum3A_156 = vector.broadcast %reduce_sum3A : i1 to vector<16xi1>
    %reduce_sum3A_157 = tpu.scan <sum>, %select_n3A_155 masked %reduce_sum3A_156 : vector<16xi32>, vector<16xi1> -> vector<16xi32>
    %reduce_sum3A_158 = vector.extract %reduce_sum3A_157[15] : i32 from vector<16xi32>
    %dma_start3A = arith.constant 0 : i32
    %dma_start3A_159 = tpu.memref_slice %arg2[%reduce_sum3A_158, %dma_start3A] : memref<32768x64xf32, #tpu.memory_space<hbm>> -> memref<1x64xf32, #tpu.memory_space<hbm>>
    %dma_start3A_160 = arith.constant 0 : i32
    %dma_start3A_161 = tpu.memref_slice %arg2[%reduce_sum3A_158, %dma_start3A_160] : memref<32768x64xf32, #tpu.memory_space<hbm>> -> memref<1x64xf32, #tpu.memory_space<hbm>>
    tpu.enqueue_dma source(%dma_start3A_161 : memref<1x64xf32, #tpu.memory_space<hbm>>) target(%arg10 : memref<1x64xf32, #tpu.memory_space<vmem>>) target_semaphore(%arg12 : memref<!tpu.dma_semaphore, #tpu.memory_space<semaphore_mem>>)
    %dma_wait3A = arith.constant 0 : i32
    %dma_wait3A_162 = tpu.memref_slice %arg2[%reduce_sum3A_158, %dma_wait3A] : memref<32768x64xf32, #tpu.memory_space<hbm>> -> memref<1x64xf32, #tpu.memory_space<hbm>>
    %dma_wait3A_163 = arith.constant 0 : i32
    %dma_wait3A_164 = tpu.memref_slice %arg2[%reduce_sum3A_158, %dma_wait3A_163] : memref<32768x64xf32, #tpu.memory_space<hbm>> -> memref<1x64xf32, #tpu.memory_space<hbm>>
    tpu.wait_dma2 semaphore(%arg12 : memref<!tpu.dma_semaphore, #tpu.memory_space<semaphore_mem>>) src(%dma_wait3A_164 : memref<1x64xf32, #tpu.memory_space<hbm>>) dst(%arg10 : memref<1x64xf32, #tpu.memory_space<vmem>>)
    "tpu.region"() ({
      %run_scoped3A = tpu.sem_alloc : memref<!tpu.dma_semaphore, #tpu.memory_space<semaphore_mem>>
      %dma_start3A_165 = arith.constant 0 : i32
      %dma_start3A_166 = tpu.memref_slice %arg5[%arg1, %dma_start3A_165] : memref<16x64xf32, #tpu.memory_space<hbm>> -> memref<1x64xf32, #tpu.memory_space<hbm>>
      %dma_start3A_167 = arith.constant 0 : i32
      %dma_start3A_168 = tpu.memref_slice %arg5[%arg1, %dma_start3A_167] : memref<16x64xf32, #tpu.memory_space<hbm>> -> memref<1x64xf32, #tpu.memory_space<hbm>>
      tpu.enqueue_dma source(%arg10 : memref<1x64xf32, #tpu.memory_space<vmem>>) target(%dma_start3A_168 : memref<1x64xf32, #tpu.memory_space<hbm>>) target_semaphore(%run_scoped3A : memref<!tpu.dma_semaphore, #tpu.memory_space<semaphore_mem>>)
      %dma_wait3A_169 = arith.constant 0 : i32
      %dma_wait3A_170 = tpu.memref_slice %arg5[%arg1, %dma_wait3A_169] : memref<16x64xf32, #tpu.memory_space<hbm>> -> memref<1x64xf32, #tpu.memory_space<hbm>>
      %dma_wait3A_171 = arith.constant 0 : i32
      %dma_wait3A_172 = tpu.memref_slice %arg5[%arg1, %dma_wait3A_171] : memref<16x64xf32, #tpu.memory_space<hbm>> -> memref<1x64xf32, #tpu.memory_space<hbm>>
      tpu.wait_dma2 semaphore(%run_scoped3A : memref<!tpu.dma_semaphore, #tpu.memory_space<semaphore_mem>>) src(%arg10 : memref<1x64xf32, #tpu.memory_space<vmem>>) dst(%dma_wait3A_172 : memref<1x64xf32, #tpu.memory_space<hbm>>)
      tpu.yield
    }) : () -> ()
    return
  }
}

</mosaic_0001>

<sc_bundles>
// kernel: kernel.3.cloned.1.call-start
scs
__scs_entry_jumppad:
0x0: {  	(pc) =	sbr.rel $0x88, $3  }
0x1: {  	(tag) =	ssettag $0x0;
	lr =	simm.s32 $0x1  }
0x2: {  	[smem:$0x3F9E] =	sst lr;
	_ =	strace $0xD0000000  }
0x3: {  	_ = 	snop  }
0x4: {  	_ = 	snop  }
0x5: {  	_ = 	snop  }
0x6: {  	_ = 	snop  }
0x7: {  	_ = 	snop  }
__scs_overlays_trampoline_lowered:
0x8: {  	[smem:$0x3FAD] =	sst s0  }
0x9: {  	[smem:$0x3FAE] =	sst s1  }
0xa: {  	[smem:$0x3FAF] =	sst s2  }
0xb: {  	[smem:$0x3FB0] =	sst s3  }
0xc: {  	[smem:$0x3FB1] =	sst s4  }
0xd: {  	[smem:$0x3FB2] =	sst s5  }
0xe: {  	[smem:$0x3FB3] =	sst s6  }
0xf: {  	[smem:$0x3FB4] =	sst s7  }
0x10: {  	[smem:$0x3FB5] =	sst s8  }
0x11: {  	[smem:$0x3FB6] =	sst s9;
	s0 =	simm.s32 @!p0 $0x0  }
0x12: {  	s1 =	sld [smem:$0x3F9C];
	s0 =	simm.s32 @p0 $0x1  }
0x13: {  	[smem:$0x3FB7] =	sst s0;
	s0 =	simm.s32 @!p1 $0x0  }
0x14: {  	s2 =	sld [smem:$0x3F9B];
	s0 =	simm.s32 @p1 $0x1  }
0x15: {  	[smem:$0x3FB8] =	sst s0;
	s0 =	simm.s32 @!p2 $0x0  }
0x16: {  	s3 =	sld [smem:$0x3FDB];
	s0 =	simm.s32 @p2 $0x1  }
0x17: {  	s4 =	simm.s32 $0x1BF5;
	[smem:$0x3FBA] =	sst s0  }
0x18: {  	s0 =	sld [smem:$0x3F9D];
	_ =	swait.ge [sflag:s4], $0x0  }
0x19: {  	s7 =	sld [smem:$0x3F9E]  }
0x1a: {  	s8 =	sadd.s32 $0xFFFFE003, lr  }
0x1b: {  	s9 =	sadd.s32 $0xFFFFFEF7, lr;
	s5 =	simm.s32 $0xFFFFFFFF;
	p2 =	slt.u32 s8, $0xFFFFF086  }
0x1c: {  	p1 =	slt.u32 s9, $0xF7A;
	s5 =	simm.s32 @!p2 $0x0  }
0x1d: {  	s5 =	simm.s32 @p1 $0x1;
	p0 =	seq.s32 s7, s2  }
0x1e: {  	s7 =	smul.u32 @!p0 $0xF7A, s2;
	p2 =	seq.s32 @!p0 s5, $0x0  }
0x1f: {  	s9 =	smul.u32 $0xF7A, s1;
	s8 =	simm.s32 @!p0 $0x1BF5;
	p2 =	por !p2, p0  }
0x20: {  	[sflag:s8] =	ssyncset.s32 @!p0 $0xFFFFF086;
	s6 =	sadd.s32 @!p0 s3, s7;
	s7 =	simm.s32 @!p0 $0x108  }
0x21: {  	s3 =	sadd.s32 s3, s9;
	s6 =	sadd.s32 @!p0 $0x88, s6;
	s7 =	simm.s32 @p2 $0x1082  }
0x22: {  	[simem:s7], [sflag:s8] =	dma.local @!p0 [hbm:s6], $0xF7A  }
0x23: {  	s9 =	sor.u32 $0xD0000000, s2;
	s6 =	simm.s32 $0x108;
	_ =	swait.ge @!p0 [sflag:s8], $0x0  }
0x24: {  	s3 =	sadd.s32 $0x88, s3;
	s6 =	simm.s32 @!p1 $0x1082;
	[sflag:s4] =	ssyncset.s32 $0xFFFFF086  }
0x25: {  	[simem:s6], [sflag:s4] =	dma.local [hbm:s3], $0xF7A  }
0x26: {  	[smem:$0x3F9E] =	sst s1;
	(tag) =	ssettag s2;
	_ =	strace s9  }
0x27: {  	s1 =	sld [smem:$0x3FAE]  }
0x28: {  	s2 =	sld [smem:$0x3FAF]  }
0x29: {  	s4 =	sld [smem:$0x3FB1]  }
0x2a: {  	p0 =	seq.s32 s5, $0x0;
	s5 =	sld [smem:$0x3FB2]  }
0x2b: {  	s6 =	sld [smem:$0x3FB3]  }
0x2c: {  	s7 =	sld [smem:$0x3FB4]  }
0x2d: {  	s3 =	simm.s32 $0x108;
	s8 =	sld [smem:$0x3FB5]  }
0x2e: {  	s3 =	simm.s32 @!p0 $0x1082;
	s9 =	sld [smem:$0x3FB6]  }
0x2f: {  	lr =	sadd.s32 s0, s3;
	s0 =	sld [smem:$0x3FAD]  }
0x30: {  	s3 =	sld [smem:$0x3FB0]  }
0x31: {  	[smem:$0x3FB9] =	sst s10  }
0x32: {  	s10 =	sld [smem:$0x3FB7];
	_ =	sdelay $0x3  }
0x33: {  	p0 =	seq.s32 s10, $0x1;
	s10 =	sld [smem:$0x3FB9];
	_ =	sdelay $0x3  }
0x34: {  	[smem:$0x3FB9] =	sst s10  }
0x35: {  	s10 =	sld [smem:$0x3FB8];
	_ =	sdelay $0x3  }
0x36: {  	p1 =	seq.s32 s10, $0x1;
	s10 =	sld [smem:$0x3FB9];
	_ =	sdelay $0x3  }
0x37: {  	[smem:$0x3FB9] =	sst s10  }
0x38: {  	s10 =	sld [smem:$0x3FBA]  }
0x39: {  	_ = 	snop;
	(pc) =	sbr.ind lr, $3  }
0x3a: {  	_ = 	snop  }
0x3b: {  	_ = 	snop  }
0x3c: {  	p2 =	seq.s32 s10, $0x1;
	s10 =	sld [smem:$0x3FB9]  }
0x3d: {  	_ =	shalt  }
0x3e: {  	_ =	shalt  }
0x3f: {  	_ =	shalt  }
0x40: {  	_ =	shalt  }
0x41: {  	_ =	shalt  }
0x42: {  	_ =	shalt  }
0x43: {  	_ =	shalt  }
0x44: {  	_ =	shalt  }
0x45: {  	_ =	shalt  }
0x46: {  	_ =	shalt  }
0x47: {  	_ =	shalt  }
0x48: {  	_ =	shalt  }
0x49: {  	_ =	shalt  }
0x4a: {  	_ =	shalt  }
0x4b: {  	_ =	shalt  }
0x4c: {  	_ =	shalt  }
0x4d: {  	_ =	shalt  }
0x4e: {  	_ =	shalt  }
0x4f: {  	_ =	shalt  }
0x50: {  	_ =	shalt  }
0x51: {  	_ =	shalt  }
0x52: {  	_ =	shalt  }
0x53: {  	_ =	shalt  }
0x54: {  	_ =	shalt  }
0x55: {  	_ =	shalt  }
0x56: {  	_ =	shalt  }
0x57: {  	_ =	shalt  }
0x58: {  	_ =	shalt  }
0x59: {  	_ =	shalt  }
0x5a: {  	_ =	shalt  }
0x5b: {  	_ =	shalt  }
0x5c: {  	_ =	shalt  }
0x5d: {  	_ =	shalt  }
0x5e: {  	_ =	shalt  }
0x5f: {  	_ =	shalt  }
0x60: {  	_ =	shalt  }
0x61: {  	_ =	shalt  }
0x62: {  	_ =	shalt  }
0x63: {  	_ =	shalt  }
0x64: {  	_ =	shalt  }
0x65: {  	_ =	shalt  }
0x66: {  	_ =	shalt  }
0x67: {  	_ =	shalt  }
0x68: {  	_ =	shalt  }
0x69: {  	_ =	shalt  }
0x6a: {  	_ =	shalt  }
0x6b: {  	_ =	shalt  }
0x6c: {  	_ =	shalt  }
0x6d: {  	_ =	shalt  }
0x6e: {  	_ =	shalt  }
0x6f: {  	_ =	shalt  }
0x70: {  	_ =	shalt  }
0x71: {  	_ =	shalt  }
0x72: {  	_ =	shalt  }
0x73: {  	_ =	shalt  }
0x74: {  	_ =	shalt  }
0x75: {  	_ =	shalt  }
0x76: {  	_ =	shalt  }
0x77: {  	_ =	shalt  }
0x78: {  	_ =	shalt  }
0x79: {  	_ =	shalt  }
0x7a: {  	_ =	shalt  }
0x7b: {  	_ =	shalt  }
0x7c: {  	_ =	shalt  }
0x7d: {  	_ =	shalt  }
0x7e: {  	_ =	shalt  }
0x7f: {  	_ =	shalt  }
0x80: {  	_ =	shalt  }
0x81: {  	_ =	shalt  }
0x82: {  	_ =	shalt  }
0x83: {  	_ =	shalt  }
0x84: {  	_ =	shalt  }
0x85: {  	_ =	shalt  }
0x86: {  	_ =	shalt  }
0x87: {  	_ =	shalt  }
.Lfunc_end0:
.L_simem_size_0:
called_computation_lowered:
.L_overlay_start_0:
0x88: {  	s0 =	sld [smem:$0x3FD9]  }
0x89: {  	s1 =	sld [smem:$0x3FFE];
	_ =	sdelay $0x3  }
0x8a: {  	s0 =	sadd.s32 s1, s0  }
0x8b: {  	[smem:$0x3FC5] =	sst s0  }
0x8c: {  	_ = 	snop  }
0x8d: {  	s0 =	sld [smem:$0x3FC8]  }
0x8e: {  	s16 =	sld [smem:$0x3FC7]  }
0x8f: {  	s2 =	sld [smem:$0x3FD0];
	(tm) =	ssettm $0x1  }
0x90: {  	s3 =	sld [smem:$0x3FFB];
	_ =	sdelay $0x3  }
0x91: {  	_ =	strace s3  }
0x92: {  	s3 =	sld [smem:$0x3FFC];
	_ =	sdelay $0x3  }
0x93: {  	_ =	strace s3  }
0x94: {  	s3 =	sld [smem:$0x3FFD];
	_ =	sdelay $0x3  }
0x95: {  	_ =	strace s3  }
0x96: {  	_ =	strace $0x8FFFFFFF  }
0x97: {  	s17 =	sld [smem:$0x3FDB];
	_ =	sdelay $0x1  }
0x98: {  	s4 =	simm.s32 $_scs_section_size  }
0x99: {  	s5 =	simm.s32 $_size__tile_overlayer_lowered;
	s6 =	simm.s32 $_tile_overlayer_lowered  }
0x9a: {  	s20 =	simm.s32 $0x1BFF;
	s19 =	sshll.u32 s6, $0x1;
	s3 =	sadd.s32 s4, s17  }
0x9b: {  	s7 =	simm.s32 $0x0;
	s18 =	sshll.u32 s5, $0x1;
	s5 =	sadd.s32 s19, s3  }
0x9c: {  	[timem:s7], [sflag:s20] =	dma.local [hbm:s5], s18  }
0x9d: {  	_ =	swait.ge [sflag:s20], s18  }
0x9e: {  	s4 =	ssub.s32 $0x0, s18;
	[sflag:s20] =	ssyncset.done $0x0  }
0x9f: {  	[sflag:s20] =	ssyncadd.s32 s4;
	_ =	sdelay $0x1  }
0xa0: {  	s21 =	simm.s32 $0x1B8B  }
0xa1: {  	_ =	swait.ge [sflag:s21], $0x1  }
0xa2: {  	[sflag:s21] =	ssyncset.done $0x0  }
0xa3: {  	s23 =	simm.s32 $0x1B8E;
	s22 =	sld [smem:$0x3FFE];
	[sflag:s21] =	ssyncadd.s32 $0xFFFFFFFF  }
0xa4: {  	s24 =	simm.s32 $execute0_lowered;
	[smem:$0x3FD2] =	sst s23  }
0xa5: {  	s5 =	sshll.u32 s24, $0x1;
	_ =	strace $0x80000046;
	[dreg:$0x1] =	wrdreg $0xFFFFFFFF  }
0xa6: {  	s25 =	simm.s32 $_size_execute0_lowered;
	s3 =	sadd.s32 s3, s5;
	[dreg:$0x0] =	wrdreg $0x0  }
0xa7: {  	s5 =	sshll.u32 s25, $0x1;
	[dreg:$0x2] =	wrdreg s3  }
0xa8: {  	[dreg:$0x3] =	wrdreg s5  }
0xa9: {  	[dreg:$0x4] =	wrdreg $0xC0  }
0xaa: {  	_ =	task [dreg:s7], $0x5FFFF  }
0xab: {  	[dreg:$0x1] =	wrdreg $0xFFFFFFFF  }
0xac: {  	[dreg:$0x0] =	wrdreg $0x60  }
0xad: {  	[dreg:$0x2] =	wrdreg s22  }
0xae: {  	[dreg:$0x3] =	wrdreg s0  }
0xaf: {  	[dreg:$0x4] =	wrdreg s16  }
0xb0: {  	[dreg:$0x5] =	wrdreg s2  }
0xb1: {  	[dreg:$0x6] =	wrdreg $0xA800  }
0xb2: {  	[dreg:$0x7] =	wrdreg $0x9  }
0xb3: {  	_ =	task.clear_ibuf [dreg:s7], $0x8FFFF;
	_ =	strace $0x90000046  }
0xb4: {  	s26 =	simm.s32 $0x9;
	_ =	strace $0x80000048  }
0xb5: {  	_ =	swait.ge [sflag:s26], $0x1  }
0xb6: {  	[sflag:s26] =	ssyncadd.s32 $0xFFFFFFFF  }
0xb7: {  	_ =	strace $0x90000048  }
0xb8: {  	_ =	sfence  }
0xb9: {  	s28 =	sld [smem:$0x0];
	_ =	sdelay $0x1  }
0xba: {  	s29 =	srdreg.scid  }
0xbb: {  	s30 =	sshll.u32 s29, $0xD;
	s31 =	sshrl.u32 s29, $0x2  }
0xbc: {  	s1 =	sand.u32 $0x1, s29;
	s2 =	sand.u32 $0x4000, s30;
	s0 =	sadd.s32 s31, s28  }
0xbd: {  	s1 =	sor.u32 s2, s1;
	s0 =	sshll.u32 s0, $0x11  }
0xbe: {  	s0 =	sor.u32 s0, s1  }
0xbf: {  	s0 =	sadd.s32 $0x8F2B, s0  }
0xc0: {  	[sflag:s0] =	ssyncadd.remote.s32 $0x1  }
0xc1: {  	_ =	sfence.sel $0xFFFF  }
0xc2: {  	[dreg:$0x0] =	wrdreg $0xFFFFFFFF;
	(pc) =	sbr.abs _section_cstart, $3  }
0xc3: {  	[dreg:$0x1] =	wrdreg $0xFFFFFFFF  }
0xc4: {  	_ =	task.clear_ibuf [dreg:s7], $0x2FFFF;
	_ =	strace $0x9FFFFFFF  }
0xc5: {  	(tm) =	ssettm $0x7FFFFFFF  }
tec
execute0_lowered:
.L_overlay_start_1:
0x0: {  	(tag) =	ssettag $0x1  }
0x1: {  	s4 =	rddreg [dreg:$0x0]  }
0x2: {  	s5 =	rddreg [dreg:$0x1]  }
0x3: {  	s7 =	rddreg [dreg:$0x2]  }
0x4: {  	s2 =	rddreg [dreg:$0x3]  }
0x5: {  	s6 =	rddreg [dreg:$0x4]  }
0x6: {  	s0 =	rddreg [dreg:$0x5];
	s3 =	simm.s32 $0x0  }
0x7: {  	s1 =	stileid.u32;
	[smem:$0x7FF] =	sst s3  }
0x8: {  	s9 =	simm.s32 $0x880;
	s8 =	sshll.u32 s1, $0x8;
	_ =	strace $0x80000047  }
0x9: {  	[tilespmem:s9], [sflag:$0x2] =	stream.linear.gather [hbm4b:s5+s3], $0x80, $0x38;
	[tilespmem:$0xA90] =	vst v63  }
0xa: {  	v0 =	vimm.s32 $0x3FF;
	s22 =	simm.s32 $0x3;
	s21 =	sadd.s32 s7, s8  }
0xb: {  	[tilespmem:s3], [sflag:$0x3] =	stream.linear.gather [hbm4b:s21+s3], $0x800, $0x38;
	[tilespmem:$0xA90] =	vst v63  }
0xc: {  	_ =	swait.ge [sflag:s22], $0x800  }
0xd: {  	[sflag:s22] =	ssyncset.done $0x0  }
0xe: {  	[sflag:s22] =	ssyncadd.s32 $0xFFFFF800  }
0xf: {  	v0 =	vld.idx.msk [tilespmem:v0+s3+$0x0], $0xffff;
	_ =	sdelay $0x3  }
0x10: {  	v1 =	vlaneseq.u32  }
0x11: {  	v42 =	vimm.s32 $0x0;
	vm0 =	vlt.s32 v0, v1  }
0x12: {  	v2 =	vsel vm0, $0x400, v42  }
0x13: {  	v3 =	vor.u32 $0x1FF, v2;
	_ =	sdelay $0x4  }
0x14: {  	v3 =	vld.idx.msk [tilespmem:v3+s3+$0x0], $0xffff;
	_ =	sdelay $0x4  }
0x15: {  	v4 =	vor.u32 $0x200, v2;
	vm4 =	vlt.s32 v3, v1  }
0x16: {  	v2 =	vsel vm4, v4, v2  }
0x17: {  	v43 =	vor.u32 $0xFF, v2;
	_ =	sdelay $0x4  }
0x18: {  	v3 =	vld.idx.msk [tilespmem:v43+s3+$0x0], $0xffff;
	_ =	sdelay $0x4  }
0x19: {  	v4 =	vor.u32 $0x100, v2;
	vm5 =	vlt.s32 v3, v1  }
0x1a: {  	v2 =	vsel vm5, v4, v2  }
0x1b: {  	v44 =	vor.u32 $0x7F, v2;
	_ =	sdelay $0x4  }
0x1c: {  	v3 =	vld.idx.msk [tilespmem:v44+s3+$0x0], $0xffff;
	_ =	sdelay $0x4  }
0x1d: {  	v4 =	vor.u32 $0x80, v2;
	vm6 =	vlt.s32 v3, v1  }
0x1e: {  	v2 =	vsel vm6, v4, v2  }
0x1f: {  	v45 =	vadd.s32 $0x3F, v2;
	_ =	sdelay $0x4  }
0x20: {  	v3 =	vld.idx.msk [tilespmem:v45+s3+$0x0], $0xffff;
	_ =	sdelay $0x4  }
0x21: {  	v4 =	vadd.s32 $0x40, v2;
	vm7 =	vlt.s32 v3, v1  }
0x22: {  	v2 =	vsel vm7, v4, v2  }
0x23: {  	v46 =	vadd.s32 $0x1F, v2;
	_ =	sdelay $0x4  }
0x24: {  	v3 =	vld.idx.msk [tilespmem:v46+s3+$0x0], $0xffff;
	_ =	sdelay $0x4  }
0x25: {  	v4 =	vadd.s32 $0x20, v2;
	vm8 =	vlt.s32 v3, v1  }
0x26: {  	v2 =	vsel vm8, v4, v2  }
0x27: {  	v47 =	vadd.s32 $0xF, v2;
	_ =	sdelay $0x4  }
0x28: {  	v3 =	vld.idx.msk [tilespmem:v47+s3+$0x0], $0xffff;
	_ =	sdelay $0x4  }
0x29: {  	v4 =	vadd.s32 $0x10, v2;
	vm9 =	vlt.s32 v3, v1  }
0x2a: {  	v2 =	vsel vm9, v4, v2  }
0x2b: {  	v48 =	vadd.s32 $0x7, v2;
	_ =	sdelay $0x4  }
0x2c: {  	v3 =	vld.idx.msk [tilespmem:v48+s3+$0x0], $0xffff;
	_ =	sdelay $0x4  }
0x2d: {  	v4 =	vadd.s32 $0x8, v2;
	vm10 =	vlt.s32 v3, v1  }
0x2e: {  	v2 =	vsel vm10, v4, v2  }
0x2f: {  	v49 =	vadd.s32 $0x3, v2;
	_ =	sdelay $0x4  }
0x30: {  	v3 =	vld.idx.msk [tilespmem:v49+s3+$0x0], $0xffff;
	_ =	sdelay $0x4  }
0x31: {  	v4 =	vadd.s32 $0x4, v2;
	vm11 =	vlt.s32 v3, v1  }
0x32: {  	v2 =	vsel vm11, v4, v2  }
0x33: {  	v50 =	vadd.s32 $0x1, v2;
	_ =	sdelay $0x4  }
0x34: {  	v3 =	vld.idx.msk [tilespmem:v50+s3+$0x0], $0xffff;
	_ =	sdelay $0x4  }
0x35: {  	v4 =	vadd.s32 $0x2, v2;
	vm12 =	vlt.s32 v3, v1  }
0x36: {  	v2 =	vsel vm12, v4, v2;
	_ =	sdelay $0x4  }
0x37: {  	v51 =	vld.idx.msk [tilespmem:v2+s3+$0x0], $0xffff;
	_ =	sdelay $0x4  }
0x38: {  	vm13 =	vlt.s32 v51, v1  }
0x39: {  	v3 =	vsel vm13, $0x1, v42  }
0x3a: {  	v2 =	vadd.s32 v3, v2;
	_ =	sdelay $0x4  }
0x3b: {  	v3 =	vld.idx.msk [tilespmem:v2+s3+$0x0], $0xffff;
	_ =	sdelay $0x4  }
0x3c: {  	vm14 =	vlt.s32 v3, v1  }
0x3d: {  	v0 =	vsel vm14, $0x1, v42  }
0x3e: {  	s23 =	sshll.u32 s1, $0x4;
	v0 =	vadd.s32 v0, v2  }
0x3f: {  	s25 =	simm.s32 $0x800;
	s24 =	sadd.s32 s23, s6;
	[tilespmem:$0x800] =	vst v0  }
0x40: {  	[spmem:s24] =	stream.linear.scatter [tilespmem:s25], [sflag:$0x3], $0x10, $0x38;
	[tilespmem:$0xA90] =	vst v63  }
0x41: {  	_ =	swait.ge [sflag:s22], $0x10  }
0x42: {  	[sflag:s22] =	ssyncset.done $0x0  }
0x43: {  	[sflag:s22] =	ssyncadd.s32 $0xFFFFFFF0  }
0x44: {  	s26 =	simm.s32 $0x900;
	[bflag:$0x0] =	sbarrier.arrive $0xFFFF  }
0x45: {  	[tilespmem:s26], [sflag:$0x3] =	stream.linear.gather [spmem:s6], $0x100, $0x38;
	[tilespmem:$0xA90] =	vst v63  }
0x46: {  	_ =	swait.ge [sflag:s22], $0x100  }
0x47: {  	[sflag:s22] =	ssyncset.done $0x0  }
0x48: {  	[sflag:s22] =	ssyncadd.s32 $0xFFFFFF00  }
0x49: {  	v52 =	vld [tilespmem:$0x900]  }
0x4a: {  	v53 =	vld [tilespmem:$0x910]  }
0x4b: {  	v54 =	vld [tilespmem:$0x920]  }
0x4c: {  	v55 =	vld [tilespmem:$0x930]  }
0x4d: {  	v5 =	vld [tilespmem:$0x940]  }
0x4e: {  	v6 =	vld [tilespmem:$0x950]  }
0x4f: {  	v7 =	vld [tilespmem:$0x960]  }
0x50: {  	v8 =	vld [tilespmem:$0x970]  }
0x51: {  	v9 =	vld [tilespmem:$0x980];
	v0 =	vadd.s32 v52, v53  }
0x52: {  	v10 =	vld [tilespmem:$0x990];
	v0 =	vadd.s32 v54, v0  }
0x53: {  	v56 =	vld [tilespmem:$0x9A0];
	v0 =	vadd.s32 v55, v0  }
0x54: {  	v57 =	vld [tilespmem:$0x9B0];
	v0 =	vadd.s32 v5, v0  }
0x55: {  	v58 =	vld [tilespmem:$0x9C0];
	v0 =	vadd.s32 v6, v0  }
0x56: {  	v59 =	vld [tilespmem:$0x9D0];
	v0 =	vadd.s32 v7, v0  }
0x57: {  	s28 =	simm.s32 $0x2;
	v60 =	vld [tilespmem:$0x9E0];
	v0 =	vadd.s32 v8, v0  }
0x58: {  	v61 =	vld [tilespmem:$0x9F0];
	_ =	swait.ge [sflag:s28], $0x80;
	v0 =	vadd.s32 v9, v0  }
0x59: {  	[sflag:s28] =	ssyncset.done $0x0;
	v0 =	vadd.s32 v10, v0  }
0x5a: {  	[sflag:s28] =	ssyncadd.s32 $0xFFFFFF80;
	v0 =	vadd.s32 v56, v0  }
0x5b: {  	v62 =	vld [tilespmem:$0x880];
	v0 =	vadd.s32 v57, v0  }
0x5c: {  	v0 =	vadd.s32 v58, v0  }
0x5d: {  	v0 =	vadd.s32 v59, v0  }
0x5e: {  	v0 =	vadd.s32 v60, v0  }
0x5f: {  	v0 =	vadd.s32 v61, v0  }
0x60: {  	v0 =	vadd.s32 v62, v0  }
0x61: {  	v63 =	vmov s1;
	vm15 =	vlt.s32 v0, $0x7FFF  }
0x62: {  	vm1 =	veq.s32 v63, v1;
	v0 =	vnsel vm15, $0x7FFF, v0  }
0x63: {  	v0 =	vnsel vm1, $0x0, v0  }
0x64: {  	(xrf0) =	vadd.scan.msk.s32 $0xffff, v0;
	_ =	sdelay $0x5  }
0x65: {  	v0, _, _ =	vpop (xrf0)  }
0x66: {  	(v2sf) =	vpush v0, $0xF;
	_ =	sdelay $0xe  }
0x67: {  	s29 =	spop (v2sf)  }
0x68: {  	s6 =	sshll.u32 s29, $0x4  }
0x69: {  	s6 =	sand.u32 $0x1FFFFFF0, s6  }
0x6a: {  	s4 =	sadd.s32 s6, s4  }
0x6b: {  	s30 =	simm.s32 $0xA00;
	s31 =	simm.s32 $0x1;
	s4 =	sadd.s32 $0x400, s4  }
0x6c: {  	[tilespmem:s30], [sflag:$0x1] =	stream.linear.gather [hbm4b:s4+s3], $0x80, $0x38;
	[tilespmem:$0xA90] =	vst v63  }
0x6d: {  	_ =	swait.ge [sflag:s31], $0x80  }
0x6e: {  	[sflag:s31] =	ssyncset.done $0x0  }
0x6f: {  	s2 =	sadd.s32 s2, s23;
	[sflag:s31] =	ssyncadd.s32 $0xFFFFFF80  }
0x70: {  	[hbm4b:s2+s3] =	stream.linear.scatter [tilespmem:s30], [sflag:$0x3], $0x80, $0x38;
	[tilespmem:$0xA90] =	vst v63  }
0x71: {  	_ =	swait.ge [sflag:s22], $0x80  }
0x72: {  	[sflag:s22] =	ssyncset.done $0x0  }
0x73: {  	[sflag:s22] =	ssyncadd.s32 $0xFFFFFF80  }
0x74: {  	_ =	sfence.sel $0x180000  }
0x75: {  	[bflag:$0x0] =	sbarrier.arrive $0xFFFF  }
0x76: {  	p0 =	sne.s32 s1, $0x0;
	_ =	strace $0x90000047  }
0x77: {  	s0 =	sadd.s32 @!p0 $0x100000, s0;
	[bflag:$0x2] =	sbarrier.arrive $0xFFFF  }
0x78: {  	[sflag:s0] =	ssyncadd.tile.s32 @!p0 $0x1;
	_ =	shalt  }
.Lfunc_end2:
_tile_overlayer_lowered:
.L_overlay_start_2:
0x79: {  	(tag) =	ssettag $0x2  }
0x7a: {  	s0 =	rddreg [dreg:$0x0];
	s2 =	stileid.u32  }
0x7b: {  	s1 =	rddreg [dreg:$0x1];
	p0 =	sne.s32 s2, $0x0  }
0x7c: {  	s3 =	rddreg [dreg:$0x2];
	[bflag:$0x3] =	sbarrier.arrive $0xFFFF;
	s2 =	simm.s32 @!p0 $0x1C03  }
0x7d: {  	[timem:s3], [sflag:s2] =	dma.local @!p0 [hbm:s0], s1  }
0x7e: {  	s0 =	simm.s32 @!p0 $0x3  }
0x7f: {  	_ =	swait.ge @!p0 [sflag:s0], s1  }
0x80: {  	s1 =	ssub.s32 @!p0 $0x0, s1;
	[sflag:s0] =	ssyncset.done @!p0 $0x0  }
0x81: {  	[sflag:s0] =	ssyncadd.s32 @!p0 s1  }
0x82: {  	[bflag:$0x3] =	sbarrier.arrive $0xFFFF  }
0x83: {  	_ =	shalt  }

</sc_bundles>
